<compile_context>
chip_gen: v7x
topology: tpu7x:2x2x1
jax: 0.10.2.dev20260603
libtpu: 0.0.44.dev20260713+nightly
codegen_flags: <defaults>
</compile_context>

<pallas_src>
import functools

import jax
import jax.numpy as jnp
from jax import lax
from jax.experimental import pallas as pl
from jax.experimental.pallas import tpu as pltpu
from jax.experimental.pallas import tpu_sc as plsc

NUM_USERS = 100000
NUM_MOVIES = 100000
EMBED_DIM = 32
NUM_GENRES = 18
BATCH = 1024

NC, NS, LANES = 2, 16, 16
NW = NC * NS
BPW = BATCH // NW
ROWW = 128
PER_ROW = ROWW // EMBED_DIM
WIDE_ONEHOT = NUM_USERS + NUM_MOVIES
WIDE_ROWS = (WIDE_ONEHOT + ROWW - 1) // ROWW


@functools.partial(
    pl.kernel,
    mesh=plsc.VectorSubcoreMesh(core_axis_name="c", subcore_axis_name="s"),
    compiler_params=pltpu.CompilerParams(needs_layout_passes=False),
    out_type=[
        jax.ShapeDtypeStruct((BATCH, ROWW), jnp.float32),
        jax.ShapeDtypeStruct((BATCH, ROWW), jnp.float32),
        jax.ShapeDtypeStruct((BATCH,), jnp.float32),
    ],
    scratch_types=[
        pltpu.VMEM((BPW,), jnp.int32),
        pltpu.VMEM((BPW,), jnp.int32),
        pltpu.VMEM((BPW,), jnp.int32),
        pltpu.VMEM((BPW,), jnp.int32),
        pltpu.VMEM((BPW, ROWW), jnp.float32),
        pltpu.VMEM((BPW, ROWW), jnp.float32),
        pltpu.VMEM((BPW, ROWW), jnp.float32),
        pltpu.VMEM((BPW, ROWW), jnp.float32),
        pltpu.VMEM((BPW,), jnp.float32),
        pltpu.SemaphoreType.DMA,
    ],
)
def _sc_gather(uid_hbm, mid_hbm, wpad_hbm, utab_hbm, mtab_hbm,
               urows_out, mrows_out, wide_out,
               uidx_v, midx_v, urow_v, mrow_v, urows_v, mrows_v,
               wurows_v, wmrows_v, wide_v, sem):
    wid = lax.axis_index("s") * NC + lax.axis_index("c")
    base = wid * BPW
    pltpu.sync_copy(uid_hbm.at[pl.ds(base, BPW)], uidx_v)
    pltpu.sync_copy(mid_hbm.at[pl.ds(base, BPW)], midx_v)
    for i in range(BPW // LANES):
        s = pl.ds(i * LANES, LANES)
        urow_v[s] = uidx_v[s] >> 2
        mrow_v[s] = midx_v[s] >> 2
    cp1 = pltpu.async_copy(utab_hbm.at[urow_v], urows_v, sem)
    cp2 = pltpu.async_copy(mtab_hbm.at[mrow_v], mrows_v, sem)
    cp1.wait()
    cp2.wait()
    pltpu.sync_copy(urows_v, urows_out.at[pl.ds(base, BPW)])
    pltpu.sync_copy(mrows_v, mrows_out.at[pl.ds(base, BPW)])
    for i in range(BPW // LANES):
        s = pl.ds(i * LANES, LANES)
        urow_v[s] = uidx_v[s] >> 7
        mrow_v[s] = (midx_v[s] + NUM_USERS) >> 7
    cp3 = pltpu.async_copy(wpad_hbm.at[urow_v], wurows_v, sem)
    cp4 = pltpu.async_copy(wpad_hbm.at[mrow_v], wmrows_v, sem)
    cp3.wait()
    cp4.wait()
    for i in range(BPW // LANES):
        s = pl.ds(i * LANES, LANES)
        rows = jnp.arange(LANES, dtype=jnp.int32) + i * LANES
        wu = plsc.load_gather(wurows_v, [rows, uidx_v[s] & (ROWW - 1)])
        wm = plsc.load_gather(
            wmrows_v, [rows, (midx_v[s] + NUM_USERS) & (ROWW - 1)])
        wide_v[s] = wu + wm
    pltpu.sync_copy(wide_v, wide_out.at[pl.ds(base, BPW)])


def _pick32(rows128, ids):
    lane = lax.broadcasted_iota(jnp.int32, (BATCH, ROWW), 1)
    sel = jnp.where((lane >> 5) == (ids & 3), rows128, 0.0)
    return (sel[:, 0:32] + sel[:, 32:64] + sel[:, 64:96] + sel[:, 96:128])


def _tc_mlp(urows, mrows, uid, mid, dense, wg,
            w1u, w1m, w1d, b1, w2, b2, w3, b3, w4t, b4, wdt, bw, out_ref):
    d = dense[...]
    uemb = _pick32(urows[...], uid[...])
    memb = _pick32(mrows[...], mid[...])
    h = uemb @ w1u[...] + memb @ w1m[...] + d @ w1d[...] + b1[...]
    h = jnp.maximum(h, 0.0)
    h = jnp.maximum(h @ w2[...] + b2[...], 0.0)
    h = jnp.maximum(h @ w3[...] + b3[...], 0.0)
    deep = jnp.sum(h * w4t[...], axis=1, keepdims=True) + b4[...]
    wide = wg[...] + jnp.sum(d * wdt[...], axis=1, keepdims=True) + bw[...]
    x = wide + deep
    out_ref[...] = 1.0 / (1.0 + jnp.exp(-x))


def kernel(user_ids, movie_ids, gender, age, occupation, genres, W_wide,
           b_wide, user_table, movie_table, W1, b1, W2, b2, W3, b3, W4, b4):
    ut128 = user_table.reshape(NUM_USERS * EMBED_DIM // ROWW, ROWW)
    mt128 = movie_table.reshape(NUM_MOVIES * EMBED_DIM // ROWW, ROWW)
    wpad = jnp.pad(W_wide[:WIDE_ONEHOT, 0],
                   (0, WIDE_ROWS * ROWW - WIDE_ONEHOT)).reshape(WIDE_ROWS, ROWW)
    urows, mrows, wide = _sc_gather(user_ids, movie_ids, wpad, ut128, mt128)
    dense = jnp.concatenate(
        [gender[:, None], age[:, None], occupation[:, None], genres], axis=1)
    out = pl.pallas_call(
        _tc_mlp,
        out_shape=jax.ShapeDtypeStruct((BATCH, 1), jnp.float32),
    )(urows, mrows, user_ids.reshape(BATCH, 1), movie_ids.reshape(BATCH, 1),
      dense, wide.reshape(BATCH, 1),
      W1[:EMBED_DIM], W1[EMBED_DIM:2 * EMBED_DIM], W1[2 * EMBED_DIM:],
      b1.reshape(1, -1), W2, b2.reshape(1, -1), W3, b3.reshape(1, -1),
      W4.reshape(1, -1), b4.reshape(1, 1),
      W_wide[WIDE_ONEHOT:, 0].reshape(1, -1), b_wide.reshape(1, 1))
    return out[:, 0]

# --- scband reference (transcript-rebuilt; emitter-appended) ---
"""Pipeline reference for scband-wide-deep-model-40192303956447 (READ-ONLY COPY).

The authoritative reference and input builder live on the scoring server;
editing this copy changes nothing except your own understanding.
"""

import jax, jax.numpy as jnp
import numpy as np

NUM_USERS = 100000
NUM_MOVIES = 100000
EMBED_DIM = 32
NUM_GENRES = 18
HIDDEN = [64, 32, 16]
BATCH = 1024


def setup_inputs(seed: int = 0) -> dict:
    key = jax.random.key(seed)
    ks = jax.random.split(key, 20)
    inp = {}
    inp['user_ids'] = jax.random.randint(ks[0], (BATCH,), 0, NUM_USERS, dtype=jnp.int32)
    inp['movie_ids'] = jax.random.randint(ks[1], (BATCH,), 0, NUM_MOVIES, dtype=jnp.int32)
    inp['gender'] = jax.random.uniform(ks[2], (BATCH,), dtype=jnp.float32)
    inp['age'] = jax.random.uniform(ks[3], (BATCH,), dtype=jnp.float32)
    inp['occupation'] = jax.random.uniform(ks[4], (BATCH,), dtype=jnp.float32)
    inp['genres'] = jax.random.uniform(ks[5], (BATCH, NUM_GENRES), dtype=jnp.float32)
    wide_in_dim = NUM_USERS + NUM_MOVIES + 3 + NUM_GENRES
    inp['W_wide'] = jax.random.normal(ks[6], (wide_in_dim, 1), dtype=jnp.float32) * 0.01
    inp['b_wide'] = jnp.zeros((1,), dtype=jnp.float32)
    inp['user_table'] = jax.random.normal(ks[7], (NUM_USERS, EMBED_DIM), dtype=jnp.float32) * 0.05
    inp['movie_table'] = jax.random.normal(ks[8], (NUM_MOVIES, EMBED_DIM), dtype=jnp.float32) * 0.05
    deep_in = EMBED_DIM * 2 + 3 + NUM_GENRES
    dims = [deep_in] + HIDDEN + [1]
    for i in range(len(dims) - 1):
        inp['W%d' % (i + 1)] = jax.random.normal(ks[9 + 2 * i], (dims[i], dims[i + 1]), dtype=jnp.float32) * (1.0 / np.sqrt(dims[i]))
        inp['b%d' % (i + 1)] = jnp.zeros((dims[i + 1],), dtype=jnp.float32)
    return inp


def reference(user_ids, movie_ids, gender, age, occupation, genres, W_wide, b_wide, user_table, movie_table, W1, b1, W2, b2, W3, b3, W4, b4):
    user_oh = jax.nn.one_hot(user_ids, NUM_USERS, dtype=jnp.float32)
    movie_oh = jax.nn.one_hot(movie_ids, NUM_MOVIES, dtype=jnp.float32)
    g = gender[:, None]
    a = age[:, None]
    o = occupation[:, None]
    wide_input = jnp.concatenate([user_oh, movie_oh, g, a, o, genres], axis=1)
    wide_output = wide_input @ W_wide + b_wide
    user_emb = jnp.take(user_table, user_ids, axis=0)
    movie_emb = jnp.take(movie_table, movie_ids, axis=0)
    deep_input = jnp.concatenate([user_emb, movie_emb, g, a, o, genres], axis=1)
    h = jax.nn.relu(deep_input @ W1 + b1)
    h = jax.nn.relu(h @ W2 + b2)
    h = jax.nn.relu(h @ W3 + b3)
    deep_output = h @ W4 + b4
    final_output = wide_output + deep_output
    probs = jax.nn.sigmoid(final_output)
    return probs.squeeze(1)

if __name__ == "__main__":
    import jax
    _d = setup_inputs()
    print(jax.jit(kernel)(*tuple(_d.values())))

</pallas_src>

<mosaic_0001>
#map = affine_map<(d0, d1) -> (0)>
#map1 = affine_map<(d0, d1) -> (0, 0)>
module attributes {stable_mosaic.version = 14 : i64} {
  func.func @_sc_gather(%arg0: i32, %arg1: i32, %arg2: memref<1024xi32, #tpu.memory_space<hbm>>, %arg3: memref<1024xi32, #tpu.memory_space<hbm>>, %arg4: memref<1563x128xf32, #tpu.memory_space<hbm>>, %arg5: memref<25000x128xf32, #tpu.memory_space<hbm>>, %arg6: memref<25000x128xf32, #tpu.memory_space<hbm>>, %arg7: memref<1024x128xf32, #tpu.memory_space<hbm>>, %arg8: memref<1024x128xf32, #tpu.memory_space<hbm>>, %arg9: memref<1024xf32, #tpu.memory_space<hbm>>, %arg10: memref<32xi32, #tpu.memory_space<vmem>>, %arg11: memref<32xi32, #tpu.memory_space<vmem>>, %arg12: memref<32xi32, #tpu.memory_space<vmem>>, %arg13: memref<32xi32, #tpu.memory_space<vmem>>, %arg14: memref<32x128xf32, #tpu.memory_space<vmem>>, %arg15: memref<32x128xf32, #tpu.memory_space<vmem>>, %arg16: memref<32x128xf32, #tpu.memory_space<vmem>>, %arg17: memref<32x128xf32, #tpu.memory_space<vmem>>, %arg18: memref<32xf32, #tpu.memory_space<vmem>>, %arg19: memref<!tpu.dma_semaphore, #tpu.memory_space<semaphore_mem>>) attributes {dimension_semantics = [#tpu.dimension_semantics<core_parallel>, #tpu.dimension_semantics<subcore_parallel>], iteration_bounds = array<i64: 2, 16>, scalar_prefetch = 0 : i64, scratch_operands = 10 : i64, tpu.core_type = #tpu.core_type<sc_vector_subcore>, window_params = [{transform_indices = #map}, {transform_indices = #map}, {transform_indices = #map1}, {transform_indices = #map1}, {transform_indices = #map1}, {transform_indices = #map1}, {transform_indices = #map1}, {transform_indices = #map}]} {
    %mul3A = arith.constant 2 : i32
    %mul3A_0 = arith.muli %arg1, %mul3A : i32
    %add3A = arith.addi %mul3A_0, %arg0 : i32
    %mul3A_1 = arith.constant 32 : i32
    %mul3A_2 = arith.muli %add3A, %mul3A_1 : i32
    "tpu.region"() ({
      %run_scoped3A = tpu.sem_alloc : memref<!tpu.dma_semaphore, #tpu.memory_space<semaphore_mem>>
      %dma_start3A_125 = tpu.memref_slice %arg2[%mul3A_2] : memref<1024xi32, #tpu.memory_space<hbm>> -> memref<32xi32, #tpu.memory_space<hbm>>
      %dma_start3A_126 = tpu.memref_slice %arg2[%mul3A_2] : memref<1024xi32, #tpu.memory_space<hbm>> -> memref<32xi32, #tpu.memory_space<hbm>>
      tpu.enqueue_dma source(%dma_start3A_126 : memref<32xi32, #tpu.memory_space<hbm>>) target(%arg10 : memref<32xi32, #tpu.memory_space<vmem>>) target_semaphore(%run_scoped3A : memref<!tpu.dma_semaphore, #tpu.memory_space<semaphore_mem>>)
      %dma_wait3A_127 = tpu.memref_slice %arg2[%mul3A_2] : memref<1024xi32, #tpu.memory_space<hbm>> -> memref<32xi32, #tpu.memory_space<hbm>>
      %dma_wait3A_128 = tpu.memref_slice %arg2[%mul3A_2] : memref<1024xi32, #tpu.memory_space<hbm>> -> memref<32xi32, #tpu.memory_space<hbm>>
      tpu.wait_dma2 semaphore(%run_scoped3A : memref<!tpu.dma_semaphore, #tpu.memory_space<semaphore_mem>>) src(%dma_wait3A_128 : memref<32xi32, #tpu.memory_space<hbm>>) dst(%arg10 : memref<32xi32, #tpu.memory_space<vmem>>)
      tpu.yield
    }) : () -> ()
    "tpu.region"() ({
      %run_scoped3A = tpu.sem_alloc : memref<!tpu.dma_semaphore, #tpu.memory_space<semaphore_mem>>
      %dma_start3A_125 = tpu.memref_slice %arg3[%mul3A_2] : memref<1024xi32, #tpu.memory_space<hbm>> -> memref<32xi32, #tpu.memory_space<hbm>>
      %dma_start3A_126 = tpu.memref_slice %arg3[%mul3A_2] : memref<1024xi32, #tpu.memory_space<hbm>> -> memref<32xi32, #tpu.memory_space<hbm>>
      tpu.enqueue_dma source(%dma_start3A_126 : memref<32xi32, #tpu.memory_space<hbm>>) target(%arg11 : memref<32xi32, #tpu.memory_space<vmem>>) target_semaphore(%run_scoped3A : memref<!tpu.dma_semaphore, #tpu.memory_space<semaphore_mem>>)
      %dma_wait3A_127 = tpu.memref_slice %arg3[%mul3A_2] : memref<1024xi32, #tpu.memory_space<hbm>> -> memref<32xi32, #tpu.memory_space<hbm>>
      %dma_wait3A_128 = tpu.memref_slice %arg3[%mul3A_2] : memref<1024xi32, #tpu.memory_space<hbm>> -> memref<32xi32, #tpu.memory_space<hbm>>
      tpu.wait_dma2 semaphore(%run_scoped3A : memref<!tpu.dma_semaphore, #tpu.memory_space<semaphore_mem>>) src(%dma_wait3A_128 : memref<32xi32, #tpu.memory_space<hbm>>) dst(%arg11 : memref<32xi32, #tpu.memory_space<vmem>>)
      tpu.yield
    }) : () -> ()
    %get3A = arith.constant 0 : index
    %get3A_3 = tpu.vector_load %arg10[%get3A] {strides = array<i32>} : memref<32xi32, #tpu.memory_space<vmem>>, vector<16xi32>,
    %shift_right_arithmetic3A = arith.constant 2 : i32
    %shift_right_arithmetic3A_4 = vector.broadcast %shift_right_arithmetic3A : i32 to vector<16xi32>
    %shift_right_arithmetic3A_5 = arith.shrsi %get3A_3, %shift_right_arithmetic3A_4 : vector<16xi32>
    %swap3A = arith.constant 0 : index
    %swap3A_6 = tpu.vector_load %arg12[%swap3A] {strides = array<i32>} : memref<32xi32, #tpu.memory_space<vmem>>, vector<16xi32>,
    tpu.vector_store %arg12[%swap3A], %shift_right_arithmetic3A_5 {strides = array<i32>} : memref<32xi32, #tpu.memory_space<vmem>>, vector<16xi32>,
    %get3A_7 = arith.constant 0 : index
    %get3A_8 = tpu.vector_load %arg11[%get3A_7] {strides = array<i32>} : memref<32xi32, #tpu.memory_space<vmem>>, vector<16xi32>,
    %shift_right_arithmetic3A_9 = arith.constant 2 : i32
    %shift_right_arithmetic3A_10 = vector.broadcast %shift_right_arithmetic3A_9 : i32 to vector<16xi32>
    %shift_right_arithmetic3A_11 = arith.shrsi %get3A_8, %shift_right_arithmetic3A_10 : vector<16xi32>
    %swap3A_12 = arith.constant 0 : index
    %swap3A_13 = tpu.vector_load %arg13[%swap3A_12] {strides = array<i32>} : memref<32xi32, #tpu.memory_space<vmem>>, vector<16xi32>,
    tpu.vector_store %arg13[%swap3A_12], %shift_right_arithmetic3A_11 {strides = array<i32>} : memref<32xi32, #tpu.memory_space<vmem>>, vector<16xi32>,
    %get3A_14 = arith.constant 16 : index
    %get3A_15 = tpu.vector_load %arg10[%get3A_14] {strides = array<i32>} : memref<32xi32, #tpu.memory_space<vmem>>, vector<16xi32>,
    %shift_right_arithmetic3A_16 = arith.constant 2 : i32
    %shift_right_arithmetic3A_17 = vector.broadcast %shift_right_arithmetic3A_16 : i32 to vector<16xi32>
    %shift_right_arithmetic3A_18 = arith.shrsi %get3A_15, %shift_right_arithmetic3A_17 : vector<16xi32>
    %swap3A_19 = arith.constant 16 : index
    %swap3A_20 = tpu.vector_load %arg12[%swap3A_19] {strides = array<i32>} : memref<32xi32, #tpu.memory_space<vmem>>, vector<16xi32>,
    tpu.vector_store %arg12[%swap3A_19], %shift_right_arithmetic3A_18 {strides = array<i32>} : memref<32xi32, #tpu.memory_space<vmem>>, vector<16xi32>,
    %get3A_21 = arith.constant 16 : index
    %get3A_22 = tpu.vector_load %arg11[%get3A_21] {strides = array<i32>} : memref<32xi32, #tpu.memory_space<vmem>>, vector<16xi32>,
    %shift_right_arithmetic3A_23 = arith.constant 2 : i32
    %shift_right_arithmetic3A_24 = vector.broadcast %shift_right_arithmetic3A_23 : i32 to vector<16xi32>
    %shift_right_arithmetic3A_25 = arith.shrsi %get3A_22, %shift_right_arithmetic3A_24 : vector<16xi32>
    %swap3A_26 = arith.constant 16 : index
    %swap3A_27 = tpu.vector_load %arg13[%swap3A_26] {strides = array<i32>} : memref<32xi32, #tpu.memory_space<vmem>>, vector<16xi32>,
    tpu.vector_store %arg13[%swap3A_26], %shift_right_arithmetic3A_25 {strides = array<i32>} : memref<32xi32, #tpu.memory_space<vmem>>, vector<16xi32>,
    %dma_start3A = arith.constant 0 : i32
    %dma_start3A_28 = arith.constant 0 : i32
    %dma_start3A_29 = tpu.memref_slice %arg5[%dma_start3A, %dma_start3A_28] : memref<25000x128xf32, #tpu.memory_space<hbm>> -> memref<25000x128xf32, #tpu.memory_space<hbm>>
    tpu.enqueue_indirect_dma source(%dma_start3A_29 : memref<25000x128xf32, #tpu.memory_space<hbm>>) target(%arg14 : memref<32x128xf32, #tpu.memory_space<vmem>>) offsets(%arg12 : memref<32xi32, #tpu.memory_space<vmem>>) semaphore(%arg19 : memref<!tpu.dma_semaphore, #tpu.memory_space<semaphore_mem>>)
    %dma_start3A_30 = arith.constant 0 : i32
    %dma_start3A_31 = arith.constant 0 : i32
    %dma_start3A_32 = tpu.memref_slice %arg6[%dma_start3A_30, %dma_start3A_31] : memref<25000x128xf32, #tpu.memory_space<hbm>> -> memref<25000x128xf32, #tpu.memory_space<hbm>>
    tpu.enqueue_indirect_dma source(%dma_start3A_32 : memref<25000x128xf32, #tpu.memory_space<hbm>>) target(%arg15 : memref<32x128xf32, #tpu.memory_space<vmem>>) offsets(%arg13 : memref<32xi32, #tpu.memory_space<vmem>>) semaphore(%arg19 : memref<!tpu.dma_semaphore, #tpu.memory_space<semaphore_mem>>)
    %dma_wait3A = arith.constant 0 : i32
    %dma_wait3A_33 = arith.constant 0 : i32
    %dma_wait3A_34 = tpu.memref_slice %arg5[%dma_wait3A, %dma_wait3A_33] : memref<25000x128xf32, #tpu.memory_space<hbm>> -> memref<25000x128xf32, #tpu.memory_space<hbm>>
    tpu.wait_indirect_dma semaphore(%arg19 : memref<!tpu.dma_semaphore, #tpu.memory_space<semaphore_mem>>) src(%dma_wait3A_34 : memref<25000x128xf32, #tpu.memory_space<hbm>>) dst(%arg14 : memref<32x128xf32, #tpu.memory_space<vmem>>)
    %dma_wait3A_35 = arith.constant 0 : i32
    %dma_wait3A_36 = arith.constant 0 : i32
    %dma_wait3A_37 = tpu.memref_slice %arg6[%dma_wait3A_35, %dma_wait3A_36] : memref<25000x128xf32, #tpu.memory_space<hbm>> -> memref<25000x128xf32, #tpu.memory_space<hbm>>
    tpu.wait_indirect_dma semaphore(%arg19 : memref<!tpu.dma_semaphore, #tpu.memory_space<semaphore_mem>>) src(%dma_wait3A_37 : memref<25000x128xf32, #tpu.memory_space<hbm>>) dst(%arg15 : memref<32x128xf32, #tpu.memory_space<vmem>>)
    "tpu.region"() ({
      %run_scoped3A = tpu.sem_alloc : memref<!tpu.dma_semaphore, #tpu.memory_space<semaphore_mem>>
      %dma_start3A_125 = arith.constant 0 : i32
      %dma_start3A_126 = tpu.memref_slice %arg7[%mul3A_2, %dma_start3A_125] : memref<1024x128xf32, #tpu.memory_space<hbm>> -> memref<32x128xf32, #tpu.memory_space<hbm>>
      %dma_start3A_127 = arith.constant 0 : i32
      %dma_start3A_128 = tpu.memref_slice %arg7[%mul3A_2, %dma_start3A_127] : memref<1024x128xf32, #tpu.memory_space<hbm>> -> memref<32x128xf32, #tpu.memory_space<hbm>>
      tpu.enqueue_dma source(%arg14 : memref<32x128xf32, #tpu.memory_space<vmem>>) target(%dma_start3A_128 : memref<32x128xf32, #tpu.memory_space<hbm>>) target_semaphore(%run_scoped3A : memref<!tpu.dma_semaphore, #tpu.memory_space<semaphore_mem>>)
      %dma_wait3A_129 = arith.constant 0 : i32
      %dma_wait3A_130 = tpu.memref_slice %arg7[%mul3A_2, %dma_wait3A_129] : memref<1024x128xf32, #tpu.memory_space<hbm>> -> memref<32x128xf32, #tpu.memory_space<hbm>>
      %dma_wait3A_131 = arith.constant 0 : i32
      %dma_wait3A_132 = tpu.memref_slice %arg7[%mul3A_2, %dma_wait3A_131] : memref<1024x128xf32, #tpu.memory_space<hbm>> -> memref<32x128xf32, #tpu.memory_space<hbm>>
      tpu.wait_dma2 semaphore(%run_scoped3A : memref<!tpu.dma_semaphore, #tpu.memory_space<semaphore_mem>>) src(%arg14 : memref<32x128xf32, #tpu.memory_space<vmem>>) dst(%dma_wait3A_132 : memref<32x128xf32, #tpu.memory_space<hbm>>)
      tpu.yield
    }) : () -> ()
    "tpu.region"() ({
      %run_scoped3A = tpu.sem_alloc : memref<!tpu.dma_semaphore, #tpu.memory_space<semaphore_mem>>
      %dma_start3A_125 = arith.constant 0 : i32
      %dma_start3A_126 = tpu.memref_slice %arg8[%mul3A_2, %dma_start3A_125] : memref<1024x128xf32, #tpu.memory_space<hbm>> -> memref<32x128xf32, #tpu.memory_space<hbm>>
      %dma_start3A_127 = arith.constant 0 : i32
      %dma_start3A_128 = tpu.memref_slice %arg8[%mul3A_2, %dma_start3A_127] : memref<1024x128xf32, #tpu.memory_space<hbm>> -> memref<32x128xf32, #tpu.memory_space<hbm>>
      tpu.enqueue_dma source(%arg15 : memref<32x128xf32, #tpu.memory_space<vmem>>) target(%dma_start3A_128 : memref<32x128xf32, #tpu.memory_space<hbm>>) target_semaphore(%run_scoped3A : memref<!tpu.dma_semaphore, #tpu.memory_space<semaphore_mem>>)
      %dma_wait3A_129 = arith.constant 0 : i32
      %dma_wait3A_130 = tpu.memref_slice %arg8[%mul3A_2, %dma_wait3A_129] : memref<1024x128xf32, #tpu.memory_space<hbm>> -> memref<32x128xf32, #tpu.memory_space<hbm>>
      %dma_wait3A_131 = arith.constant 0 : i32
      %dma_wait3A_132 = tpu.memref_slice %arg8[%mul3A_2, %dma_wait3A_131] : memref<1024x128xf32, #tpu.memory_space<hbm>> -> memref<32x128xf32, #tpu.memory_space<hbm>>
      tpu.wait_dma2 semaphore(%run_scoped3A : memref<!tpu.dma_semaphore, #tpu.memory_space<semaphore_mem>>) src(%arg15 : memref<32x128xf32, #tpu.memory_space<vmem>>) dst(%dma_wait3A_132 : memref<32x128xf32, #tpu.memory_space<hbm>>)
      tpu.yield
    }) : () -> ()
    %get3A_38 = arith.constant 0 : index
    %get3A_39 = tpu.vector_load %arg10[%get3A_38] {strides = array<i32>} : memref<32xi32, #tpu.memory_space<vmem>>, vector<16xi32>,
    %shift_right_arithmetic3A_40 = arith.constant 7 : i32
    %shift_right_arithmetic3A_41 = vector.broadcast %shift_right_arithmetic3A_40 : i32 to vector<16xi32>
    %shift_right_arithmetic3A_42 = arith.shrsi %get3A_39, %shift_right_arithmetic3A_41 : vector<16xi32>
    %swap3A_43 = arith.constant 0 : index
    %swap3A_44 = tpu.vector_load %arg12[%swap3A_43] {strides = array<i32>} : memref<32xi32, #tpu.memory_space<vmem>>, vector<16xi32>,
    tpu.vector_store %arg12[%swap3A_43], %shift_right_arithmetic3A_42 {strides = array<i32>} : memref<32xi32, #tpu.memory_space<vmem>>, vector<16xi32>,
    %get3A_45 = arith.constant 0 : index
    %get3A_46 = tpu.vector_load %arg11[%get3A_45] {strides = array<i32>} : memref<32xi32, #tpu.memory_space<vmem>>, vector<16xi32>,
    %add3A_47 = arith.constant 100000 : i32
    %add3A_48 = vector.broadcast %add3A_47 : i32 to vector<16xi32>
    %add3A_49 = arith.addi %get3A_46, %add3A_48 : vector<16xi32>
    %shift_right_arithmetic3A_50 = arith.constant 7 : i32
    %shift_right_arithmetic3A_51 = vector.broadcast %shift_right_arithmetic3A_50 : i32 to vector<16xi32>
    %shift_right_arithmetic3A_52 = arith.shrsi %add3A_49, %shift_right_arithmetic3A_51 : vector<16xi32>
    %swap3A_53 = arith.constant 0 : index
    %swap3A_54 = tpu.vector_load %arg13[%swap3A_53] {strides = array<i32>} : memref<32xi32, #tpu.memory_space<vmem>>, vector<16xi32>,
    tpu.vector_store %arg13[%swap3A_53], %shift_right_arithmetic3A_52 {strides = array<i32>} : memref<32xi32, #tpu.memory_space<vmem>>, vector<16xi32>,
    %get3A_55 = arith.constant 16 : index
    %get3A_56 = tpu.vector_load %arg10[%get3A_55] {strides = array<i32>} : memref<32xi32, #tpu.memory_space<vmem>>, vector<16xi32>,
    %shift_right_arithmetic3A_57 = arith.constant 7 : i32
    %shift_right_arithmetic3A_58 = vector.broadcast %shift_right_arithmetic3A_57 : i32 to vector<16xi32>
    %shift_right_arithmetic3A_59 = arith.shrsi %get3A_56, %shift_right_arithmetic3A_58 : vector<16xi32>
    %swap3A_60 = arith.constant 16 : index
    %swap3A_61 = tpu.vector_load %arg12[%swap3A_60] {strides = array<i32>} : memref<32xi32, #tpu.memory_space<vmem>>, vector<16xi32>,
    tpu.vector_store %arg12[%swap3A_60], %shift_right_arithmetic3A_59 {strides = array<i32>} : memref<32xi32, #tpu.memory_space<vmem>>, vector<16xi32>,
    %get3A_62 = arith.constant 16 : index
    %get3A_63 = tpu.vector_load %arg11[%get3A_62] {strides = array<i32>} : memref<32xi32, #tpu.memory_space<vmem>>, vector<16xi32>,
    %add3A_64 = arith.constant 100000 : i32
    %add3A_65 = vector.broadcast %add3A_64 : i32 to vector<16xi32>
    %add3A_66 = arith.addi %get3A_63, %add3A_65 : vector<16xi32>
    %shift_right_arithmetic3A_67 = arith.constant 7 : i32
    %shift_right_arithmetic3A_68 = vector.broadcast %shift_right_arithmetic3A_67 : i32 to vector<16xi32>
    %shift_right_arithmetic3A_69 = arith.shrsi %add3A_66, %shift_right_arithmetic3A_68 : vector<16xi32>
    %swap3A_70 = arith.constant 16 : index
    %swap3A_71 = tpu.vector_load %arg13[%swap3A_70] {strides = array<i32>} : memref<32xi32, #tpu.memory_space<vmem>>, vector<16xi32>,
    tpu.vector_store %arg13[%swap3A_70], %shift_right_arithmetic3A_69 {strides = array<i32>} : memref<32xi32, #tpu.memory_space<vmem>>, vector<16xi32>,
    %dma_start3A_72 = arith.constant 0 : i32
    %dma_start3A_73 = arith.constant 0 : i32
    %dma_start3A_74 = tpu.memref_slice %arg4[%dma_start3A_72, %dma_start3A_73] : memref<1563x128xf32, #tpu.memory_space<hbm>> -> memref<1563x128xf32, #tpu.memory_space<hbm>>
    tpu.enqueue_indirect_dma source(%dma_start3A_74 : memref<1563x128xf32, #tpu.memory_space<hbm>>) target(%arg16 : memref<32x128xf32, #tpu.memory_space<vmem>>) offsets(%arg12 : memref<32xi32, #tpu.memory_space<vmem>>) semaphore(%arg19 : memref<!tpu.dma_semaphore, #tpu.memory_space<semaphore_mem>>)
    %dma_start3A_75 = arith.constant 0 : i32
    %dma_start3A_76 = arith.constant 0 : i32
    %dma_start3A_77 = tpu.memref_slice %arg4[%dma_start3A_75, %dma_start3A_76] : memref<1563x128xf32, #tpu.memory_space<hbm>> -> memref<1563x128xf32, #tpu.memory_space<hbm>>
    tpu.enqueue_indirect_dma source(%dma_start3A_77 : memref<1563x128xf32, #tpu.memory_space<hbm>>) target(%arg17 : memref<32x128xf32, #tpu.memory_space<vmem>>) offsets(%arg13 : memref<32xi32, #tpu.memory_space<vmem>>) semaphore(%arg19 : memref<!tpu.dma_semaphore, #tpu.memory_space<semaphore_mem>>)
    %dma_wait3A_78 = arith.constant 0 : i32
    %dma_wait3A_79 = arith.constant 0 : i32
    %dma_wait3A_80 = tpu.memref_slice %arg4[%dma_wait3A_78, %dma_wait3A_79] : memref<1563x128xf32, #tpu.memory_space<hbm>> -> memref<1563x128xf32, #tpu.memory_space<hbm>>
    tpu.wait_indirect_dma semaphore(%arg19 : memref<!tpu.dma_semaphore, #tpu.memory_space<semaphore_mem>>) src(%dma_wait3A_80 : memref<1563x128xf32, #tpu.memory_space<hbm>>) dst(%arg16 : memref<32x128xf32, #tpu.memory_space<vmem>>)
    %dma_wait3A_81 = arith.constant 0 : i32
    %dma_wait3A_82 = arith.constant 0 : i32
    %dma_wait3A_83 = tpu.memref_slice %arg4[%dma_wait3A_81, %dma_wait3A_82] : memref<1563x128xf32, #tpu.memory_space<hbm>> -> memref<1563x128xf32, #tpu.memory_space<hbm>>
    tpu.wait_indirect_dma semaphore(%arg19 : memref<!tpu.dma_semaphore, #tpu.memory_space<semaphore_mem>>) src(%dma_wait3A_83 : memref<1563x128xf32, #tpu.memory_space<hbm>>) dst(%arg17 : memref<32x128xf32, #tpu.memory_space<vmem>>)
    %iota3A = tpu.iota {dimensions = array<i32: 0>} : vector<16xi32>
    %add3A_84 = arith.constant 0 : i32
    %add3A_85 = vector.broadcast %add3A_84 : i32 to vector<16xi32>
    %add3A_86 = arith.addi %iota3A, %add3A_85 : vector<16xi32>
    %get3A_87 = arith.constant 0 : index
    %get3A_88 = tpu.vector_load %arg10[%get3A_87] {strides = array<i32>} : memref<32xi32, #tpu.memory_space<vmem>>, vector<16xi32>,
    %and3A = arith.constant 127 : i32
    %and3A_89 = vector.broadcast %and3A : i32 to vector<16xi32>
    %and3A_90 = arith.andi %get3A_88, %and3A_89 : vector<16xi32>
    %gather3A = tpu.vector_load_idx %arg16[%add3A_86, %and3A_90] : memref<32x128xf32, #tpu.memory_space<vmem>>[vector<16xi32>, vector<16xi32>], vector<16xf32>,
    %get3A_91 = arith.constant 0 : index
    %get3A_92 = tpu.vector_load %arg11[%get3A_91] {strides = array<i32>} : memref<32xi32, #tpu.memory_space<vmem>>, vector<16xi32>,
    %add3A_93 = arith.constant 100000 : i32
    %add3A_94 = vector.broadcast %add3A_93 : i32 to vector<16xi32>
    %add3A_95 = arith.addi %get3A_92, %add3A_94 : vector<16xi32>
    %and3A_96 = arith.constant 127 : i32
    %and3A_97 = vector.broadcast %and3A_96 : i32 to vector<16xi32>
    %and3A_98 = arith.andi %add3A_95, %and3A_97 : vector<16xi32>
    %gather3A_99 = tpu.vector_load_idx %arg17[%add3A_86, %and3A_98] : memref<32x128xf32, #tpu.memory_space<vmem>>[vector<16xi32>, vector<16xi32>], vector<16xf32>,
    %add3A_100 = arith.addf %gather3A, %gather3A_99 : vector<16xf32>
    %swap3A_101 = arith.constant 0 : index
    %swap3A_102 = tpu.vector_load %arg18[%swap3A_101] {strides = array<i32>} : memref<32xf32, #tpu.memory_space<vmem>>, vector<16xf32>,
    tpu.vector_store %arg18[%swap3A_101], %add3A_100 {strides = array<i32>} : memref<32xf32, #tpu.memory_space<vmem>>, vector<16xf32>,
    %iota3A_103 = tpu.iota {dimensions = array<i32: 0>} : vector<16xi32>
    %add3A_104 = arith.constant 16 : i32
    %add3A_105 = vector.broadcast %add3A_104 : i32 to vector<16xi32>
    %add3A_106 = arith.addi %iota3A_103, %add3A_105 : vector<16xi32>
    %get3A_107 = arith.constant 16 : index
    %get3A_108 = tpu.vector_load %arg10[%get3A_107] {strides = array<i32>} : memref<32xi32, #tpu.memory_space<vmem>>, vector<16xi32>,
    %and3A_109 = arith.constant 127 : i32
    %and3A_110 = vector.broadcast %and3A_109 : i32 to vector<16xi32>
    %and3A_111 = arith.andi %get3A_108, %and3A_110 : vector<16xi32>
    %gather3A_112 = tpu.vector_load_idx %arg16[%add3A_106, %and3A_111] : memref<32x128xf32, #tpu.memory_space<vmem>>[vector<16xi32>, vector<16xi32>], vector<16xf32>,
    %get3A_113 = arith.constant 16 : index
    %get3A_114 = tpu.vector_load %arg11[%get3A_113] {strides = array<i32>} : memref<32xi32, #tpu.memory_space<vmem>>, vector<16xi32>,
    %add3A_115 = arith.constant 100000 : i32
    %add3A_116 = vector.broadcast %add3A_115 : i32 to vector<16xi32>
    %add3A_117 = arith.addi %get3A_114, %add3A_116 : vector<16xi32>
    %and3A_118 = arith.constant 127 : i32
    %and3A_119 = vector.broadcast %and3A_118 : i32 to vector<16xi32>
    %and3A_120 = arith.andi %add3A_117, %and3A_119 : vector<16xi32>
    %gather3A_121 = tpu.vector_load_idx %arg17[%add3A_106, %and3A_120] : memref<32x128xf32, #tpu.memory_space<vmem>>[vector<16xi32>, vector<16xi32>], vector<16xf32>,
    %add3A_122 = arith.addf %gather3A_112, %gather3A_121 : vector<16xf32>
    %swap3A_123 = arith.constant 16 : index
    %swap3A_124 = tpu.vector_load %arg18[%swap3A_123] {strides = array<i32>} : memref<32xf32, #tpu.memory_space<vmem>>, vector<16xf32>,
    tpu.vector_store %arg18[%swap3A_123], %add3A_122 {strides = array<i32>} : memref<32xf32, #tpu.memory_space<vmem>>, vector<16xf32>,
    "tpu.region"() ({
      %run_scoped3A = tpu.sem_alloc : memref<!tpu.dma_semaphore, #tpu.memory_space<semaphore_mem>>
      %dma_start3A_125 = tpu.memref_slice %arg9[%mul3A_2] : memref<1024xf32, #tpu.memory_space<hbm>> -> memref<32xf32, #tpu.memory_space<hbm>>
      %dma_start3A_126 = tpu.memref_slice %arg9[%mul3A_2] : memref<1024xf32, #tpu.memory_space<hbm>> -> memref<32xf32, #tpu.memory_space<hbm>>
      tpu.enqueue_dma source(%arg18 : memref<32xf32, #tpu.memory_space<vmem>>) target(%dma_start3A_126 : memref<32xf32, #tpu.memory_space<hbm>>) target_semaphore(%run_scoped3A : memref<!tpu.dma_semaphore, #tpu.memory_space<semaphore_mem>>)
      %dma_wait3A_127 = tpu.memref_slice %arg9[%mul3A_2] : memref<1024xf32, #tpu.memory_space<hbm>> -> memref<32xf32, #tpu.memory_space<hbm>>
      %dma_wait3A_128 = tpu.memref_slice %arg9[%mul3A_2] : memref<1024xf32, #tpu.memory_space<hbm>> -> memref<32xf32, #tpu.memory_space<hbm>>
      tpu.wait_dma2 semaphore(%run_scoped3A : memref<!tpu.dma_semaphore, #tpu.memory_space<semaphore_mem>>) src(%arg18 : memref<32xf32, #tpu.memory_space<vmem>>) dst(%dma_wait3A_128 : memref<32xf32, #tpu.memory_space<hbm>>)
      tpu.yield
    }) : () -> ()
    return
  }
}

module attributes {stable_mosaic.version = 14 : i64} {
  func.func @_tc_mlp(%arg0: memref<1024x128xf32, #tpu.memory_space<vmem>>, %arg1: memref<1024x128xf32, #tpu.memory_space<vmem>>, %arg2: memref<1024x1xi32, #tpu.memory_space<vmem>>, %arg3: memref<1024x1xi32, #tpu.memory_space<vmem>>, %arg4: memref<1024x21xf32, #tpu.memory_space<vmem>>, %arg5: memref<1024x1xf32, #tpu.memory_space<vmem>>, %arg6: memref<32x64xf32, #tpu.memory_space<vmem>>, %arg7: memref<32x64xf32, #tpu.memory_space<vmem>>, %arg8: memref<21x64xf32, #tpu.memory_space<vmem>>, %arg9: memref<1x64xf32, #tpu.memory_space<vmem>>, %arg10: memref<64x32xf32, #tpu.memory_space<vmem>>, %arg11: memref<1x32xf32, #tpu.memory_space<vmem>>, %arg12: memref<32x16xf32, #tpu.memory_space<vmem>>, %arg13: memref<1x16xf32, #tpu.memory_space<vmem>>, %arg14: memref<1x16xf32, #tpu.memory_space<vmem>>, %arg15: memref<1x1xf32, #tpu.memory_space<vmem>>, %arg16: memref<1x21xf32, #tpu.memory_space<vmem>>, %arg17: memref<1x1xf32, #tpu.memory_space<vmem>>, %arg18: memref<1024x1xf32, #tpu.memory_space<vmem>>) attributes {dimension_semantics = [], scalar_prefetch = 0 : i64, scratch_operands = 0 : i64, tpu.core_type = #tpu.core_type<tc>} {
    %get3A = arith.constant 0 : index
    %get3A_0 = arith.constant 0 : index
    %get3A_1 = vector.load %arg4[%get3A, %get3A_0] : memref<1024x21xf32, #tpu.memory_space<vmem>>, vector<1024x21xf32>
    %get3A_2 = arith.constant 0 : index
    %get3A_3 = arith.constant 0 : index
    %get3A_4 = vector.load %arg0[%get3A_2, %get3A_3] : memref<1024x128xf32, #tpu.memory_space<vmem>>, vector<1024x128xf32>
    %get3A_5 = arith.constant 0 : index
    %get3A_6 = arith.constant 0 : index
    %get3A_7 = vector.load %arg2[%get3A_5, %get3A_6] : memref<1024x1xi32, #tpu.memory_space<vmem>>, vector<1024x1xi32>
    %iota3A = tpu.iota {dimensions = array<i32: 1>} : vector<1024x128xi32>
    %shift_right_arithmetic3A = arith.constant 5 : i32
    %shift_right_arithmetic3A_8 = vector.broadcast %shift_right_arithmetic3A : i32 to vector<1024x128xi32>
    %shift_right_arithmetic3A_9 = arith.shrsi %iota3A, %shift_right_arithmetic3A_8 : vector<1024x128xi32>
    %and3A = arith.constant 3 : i32
    %and3A_10 = vector.broadcast %and3A : i32 to vector<1024x1xi32>
    %and3A_11 = arith.andi %get3A_7, %and3A_10 : vector<1024x1xi32>
    %eq3A = vector.broadcast %and3A_11 : vector<1024x1xi32> to vector<1024x128xi32>
    %eq3A_12 = arith.cmpi eq, %shift_right_arithmetic3A_9, %eq3A : vector<1024x128xi32>
    %jit3A = arith.constant 0.000000e+00 : f32
    %broadcast_in_dim3A = vector.broadcast %jit3A : f32 to vector<1024x128xf32>
    %select_n3A = arith.select %eq3A_12, %get3A_4, %broadcast_in_dim3A : vector<1024x128xi1>, vector<1024x128xf32>
    %slice3A = vector.extract_strided_slice %select_n3A {offsets = [0, 0], sizes = [1024, 32], strides = [1, 1]} : vector<1024x128xf32> to vector<1024x32xf32>
    %slice3A_13 = vector.extract_strided_slice %select_n3A {offsets = [0, 32], sizes = [1024, 32], strides = [1, 1]} : vector<1024x128xf32> to vector<1024x32xf32>
    %add3A = arith.addf %slice3A, %slice3A_13 : vector<1024x32xf32>
    %slice3A_14 = vector.extract_strided_slice %select_n3A {offsets = [0, 64], sizes = [1024, 32], strides = [1, 1]} : vector<1024x128xf32> to vector<1024x32xf32>
    %add3A_15 = arith.addf %add3A, %slice3A_14 : vector<1024x32xf32>
    %slice3A_16 = vector.extract_strided_slice %select_n3A {offsets = [0, 96], sizes = [1024, 32], strides = [1, 1]} : vector<1024x128xf32> to vector<1024x32xf32>
    %add3A_17 = arith.addf %add3A_15, %slice3A_16 : vector<1024x32xf32>
    %get3A_18 = arith.constant 0 : index
    %get3A_19 = arith.constant 0 : index
    %get3A_20 = vector.load %arg1[%get3A_18, %get3A_19] : memref<1024x128xf32, #tpu.memory_space<vmem>>, vector<1024x128xf32>
    %get3A_21 = arith.constant 0 : index
    %get3A_22 = arith.constant 0 : index
    %get3A_23 = vector.load %arg3[%get3A_21, %get3A_22] : memref<1024x1xi32, #tpu.memory_space<vmem>>, vector<1024x1xi32>
    %iota3A_24 = tpu.iota {dimensions = array<i32: 1>} : vector<1024x128xi32>
    %shift_right_arithmetic3A_25 = arith.constant 5 : i32
    %shift_right_arithmetic3A_26 = vector.broadcast %shift_right_arithmetic3A_25 : i32 to vector<1024x128xi32>
    %shift_right_arithmetic3A_27 = arith.shrsi %iota3A_24, %shift_right_arithmetic3A_26 : vector<1024x128xi32>
    %and3A_28 = arith.constant 3 : i32
    %and3A_29 = vector.broadcast %and3A_28 : i32 to vector<1024x1xi32>
    %and3A_30 = arith.andi %get3A_23, %and3A_29 : vector<1024x1xi32>
    %eq3A_31 = vector.broadcast %and3A_30 : vector<1024x1xi32> to vector<1024x128xi32>
    %eq3A_32 = arith.cmpi eq, %shift_right_arithmetic3A_27, %eq3A_31 : vector<1024x128xi32>
    %jit3A_33 = arith.constant 0.000000e+00 : f32
    %broadcast_in_dim3A_34 = vector.broadcast %jit3A_33 : f32 to vector<1024x128xf32>
    %select_n3A_35 = arith.select %eq3A_32, %get3A_20, %broadcast_in_dim3A_34 : vector<1024x128xi1>, vector<1024x128xf32>
    %slice3A_36 = vector.extract_strided_slice %select_n3A_35 {offsets = [0, 0], sizes = [1024, 32], strides = [1, 1]} : vector<1024x128xf32> to vector<1024x32xf32>
    %slice3A_37 = vector.extract_strided_slice %select_n3A_35 {offsets = [0, 32], sizes = [1024, 32], strides = [1, 1]} : vector<1024x128xf32> to vector<1024x32xf32>
    %add3A_38 = arith.addf %slice3A_36, %slice3A_37 : vector<1024x32xf32>
    %slice3A_39 = vector.extract_strided_slice %select_n3A_35 {offsets = [0, 64], sizes = [1024, 32], strides = [1, 1]} : vector<1024x128xf32> to vector<1024x32xf32>
    %add3A_40 = arith.addf %add3A_38, %slice3A_39 : vector<1024x32xf32>
    %slice3A_41 = vector.extract_strided_slice %select_n3A_35 {offsets = [0, 96], sizes = [1024, 32], strides = [1, 1]} : vector<1024x128xf32> to vector<1024x32xf32>
    %add3A_42 = arith.addf %add3A_40, %slice3A_41 : vector<1024x32xf32>
    %get3A_43 = arith.constant 0 : index
    %get3A_44 = arith.constant 0 : index
    %get3A_45 = vector.load %arg6[%get3A_43, %get3A_44] : memref<32x64xf32, #tpu.memory_space<vmem>>, vector<32x64xf32>
    %dot_general3A = arith.constant dense<0.000000e+00> : vector<1024x64xf32>
    %dot_general3A_46 = tpu.matmul %add3A_17, %get3A_45, %dot_general3A {dimension_numbers = #tpu.dot_dimension_numbers<[1], [0], [0], [1], [0, 0, 1, 1], [], []>, transpose_lhs_hint = false} : vector<1024x32xf32>, vector<32x64xf32>, vector<1024x64xf32> -> vector<1024x64xf32>
    %get3A_47 = arith.constant 0 : index
    %get3A_48 = arith.constant 0 : index
    %get3A_49 = vector.load %arg7[%get3A_47, %get3A_48] : memref<32x64xf32, #tpu.memory_space<vmem>>, vector<32x64xf32>
    %dot_general3A_50 = arith.constant dense<0.000000e+00> : vector<1024x64xf32>
    %dot_general3A_51 = tpu.matmul %add3A_42, %get3A_49, %dot_general3A_50 {dimension_numbers = #tpu.dot_dimension_numbers<[1], [0], [0], [1], [0, 0, 1, 1], [], []>, transpose_lhs_hint = false} : vector<1024x32xf32>, vector<32x64xf32>, vector<1024x64xf32> -> vector<1024x64xf32>
    %add3A_52 = arith.addf %dot_general3A_46, %dot_general3A_51 : vector<1024x64xf32>
    %get3A_53 = arith.constant 0 : index
    %get3A_54 = arith.constant 0 : index
    %get3A_55 = vector.load %arg8[%get3A_53, %get3A_54] : memref<21x64xf32, #tpu.memory_space<vmem>>, vector<21x64xf32>
    %dot_general3A_56 = arith.constant dense<0.000000e+00> : vector<1024x64xf32>
    %dot_general3A_57 = tpu.matmul %get3A_1, %get3A_55, %dot_general3A_56 {dimension_numbers = #tpu.dot_dimension_numbers<[1], [0], [0], [1], [0, 0, 1, 1], [], []>, transpose_lhs_hint = false} : vector<1024x21xf32>, vector<21x64xf32>, vector<1024x64xf32> -> vector<1024x64xf32>
    %add3A_58 = arith.addf %add3A_52, %dot_general3A_57 : vector<1024x64xf32>
    %get3A_59 = arith.constant 0 : index
    %get3A_60 = arith.constant 0 : index
    %get3A_61 = vector.load %arg9[%get3A_59, %get3A_60] : memref<1x64xf32, #tpu.memory_space<vmem>>, vector<1x64xf32>
    %add3A_62 = vector.broadcast %get3A_61 : vector<1x64xf32> to vector<1024x64xf32>
    %add3A_63 = arith.addf %add3A_58, %add3A_62 : vector<1024x64xf32>
    %max3A = arith.constant 0.000000e+00 : f32
    %max3A_64 = vector.broadcast %max3A : f32 to vector<1024x64xf32>
    %max3A_65 = arith.maximumf %add3A_63, %max3A_64 : vector<1024x64xf32>
    %get3A_66 = arith.constant 0 : index
    %get3A_67 = arith.constant 0 : index
    %get3A_68 = vector.load %arg10[%get3A_66, %get3A_67] : memref<64x32xf32, #tpu.memory_space<vmem>>, vector<64x32xf32>
    %dot_general3A_69 = arith.constant dense<0.000000e+00> : vector<1024x32xf32>
    %dot_general3A_70 = tpu.matmul %max3A_65, %get3A_68, %dot_general3A_69 {dimension_numbers = #tpu.dot_dimension_numbers<[1], [0], [0], [1], [0, 0, 1, 1], [], []>, transpose_lhs_hint = false} : vector<1024x64xf32>, vector<64x32xf32>, vector<1024x32xf32> -> vector<1024x32xf32>
    %get3A_71 = arith.constant 0 : index
    %get3A_72 = arith.constant 0 : index
    %get3A_73 = vector.load %arg11[%get3A_71, %get3A_72] : memref<1x32xf32, #tpu.memory_space<vmem>>, vector<1x32xf32>
    %add3A_74 = vector.broadcast %get3A_73 : vector<1x32xf32> to vector<1024x32xf32>
    %add3A_75 = arith.addf %dot_general3A_70, %add3A_74 : vector<1024x32xf32>
    %max3A_76 = arith.constant 0.000000e+00 : f32
    %max3A_77 = vector.broadcast %max3A_76 : f32 to vector<1024x32xf32>
    %max3A_78 = arith.maximumf %add3A_75, %max3A_77 : vector<1024x32xf32>
    %get3A_79 = arith.constant 0 : index
    %get3A_80 = arith.constant 0 : index
    %get3A_81 = vector.load %arg12[%get3A_79, %get3A_80] : memref<32x16xf32, #tpu.memory_space<vmem>>, vector<32x16xf32>
    %dot_general3A_82 = arith.constant dense<0.000000e+00> : vector<1024x16xf32>
    %dot_general3A_83 = tpu.matmul %max3A_78, %get3A_81, %dot_general3A_82 {dimension_numbers = #tpu.dot_dimension_numbers<[1], [0], [0], [1], [0, 0, 1, 1], [], []>, transpose_lhs_hint = false} : vector<1024x32xf32>, vector<32x16xf32>, vector<1024x16xf32> -> vector<1024x16xf32>
    %get3A_84 = arith.constant 0 : index
    %get3A_85 = arith.constant 0 : index
    %get3A_86 = vector.load %arg13[%get3A_84, %get3A_85] : memref<1x16xf32, #tpu.memory_space<vmem>>, vector<1x16xf32>
    %add3A_87 = vector.broadcast %get3A_86 : vector<1x16xf32> to vector<1024x16xf32>
    %add3A_88 = arith.addf %dot_general3A_83, %add3A_87 : vector<1024x16xf32>
    %max3A_89 = arith.constant 0.000000e+00 : f32
    %max3A_90 = vector.broadcast %max3A_89 : f32 to vector<1024x16xf32>
    %max3A_91 = arith.maximumf %add3A_88, %max3A_90 : vector<1024x16xf32>
    %get3A_92 = arith.constant 0 : index
    %get3A_93 = arith.constant 0 : index
    %get3A_94 = vector.load %arg14[%get3A_92, %get3A_93] : memref<1x16xf32, #tpu.memory_space<vmem>>, vector<1x16xf32>
    %mul3A = vector.broadcast %get3A_94 : vector<1x16xf32> to vector<1024x16xf32>
    %mul3A_95 = arith.mulf %max3A_91, %mul3A : vector<1024x16xf32>
    %reduce_sum3A = arith.constant dense<0.000000e+00> : vector<1024xf32>
    %reduce_sum3A_96 = vector.multi_reduction <add>, %mul3A_95, %reduce_sum3A [1] : vector<1024x16xf32> to vector<1024xf32>
    %broadcast_in_dim3A_97 = vector.shape_cast %reduce_sum3A_96 : vector<1024xf32> to vector<1024x1xf32>
    %get3A_98 = arith.constant 0 : index
    %get3A_99 = arith.constant 0 : index
    %get3A_100 = vector.load %arg15[%get3A_98, %get3A_99] : memref<1x1xf32, #tpu.memory_space<vmem>>, vector<1x1xf32>
    %add3A_101 = vector.broadcast %get3A_100 : vector<1x1xf32> to vector<1024x1xf32>
    %add3A_102 = arith.addf %broadcast_in_dim3A_97, %add3A_101 : vector<1024x1xf32>
    %get3A_103 = arith.constant 0 : index
    %get3A_104 = arith.constant 0 : index
    %get3A_105 = vector.load %arg5[%get3A_103, %get3A_104] : memref<1024x1xf32, #tpu.memory_space<vmem>>, vector<1024x1xf32>
    %get3A_106 = arith.constant 0 : index
    %get3A_107 = arith.constant 0 : index
    %get3A_108 = vector.load %arg16[%get3A_106, %get3A_107] : memref<1x21xf32, #tpu.memory_space<vmem>>, vector<1x21xf32>
    %mul3A_109 = vector.broadcast %get3A_108 : vector<1x21xf32> to vector<1024x21xf32>
    %mul3A_110 = arith.mulf %get3A_1, %mul3A_109 : vector<1024x21xf32>
    %reduce_sum3A_111 = arith.constant dense<0.000000e+00> : vector<1024xf32>
    %reduce_sum3A_112 = vector.multi_reduction <add>, %mul3A_110, %reduce_sum3A_111 [1] : vector<1024x21xf32> to vector<1024xf32>
    %broadcast_in_dim3A_113 = vector.shape_cast %reduce_sum3A_112 : vector<1024xf32> to vector<1024x1xf32>
    %add3A_114 = arith.addf %get3A_105, %broadcast_in_dim3A_113 : vector<1024x1xf32>
    %get3A_115 = arith.constant 0 : index
    %get3A_116 = arith.constant 0 : index
    %get3A_117 = vector.load %arg17[%get3A_115, %get3A_116] : memref<1x1xf32, #tpu.memory_space<vmem>>, vector<1x1xf32>
    %add3A_118 = vector.broadcast %get3A_117 : vector<1x1xf32> to vector<1024x1xf32>
    %add3A_119 = arith.addf %add3A_114, %add3A_118 : vector<1024x1xf32>
    %add3A_120 = arith.addf %add3A_119, %add3A_102 : vector<1024x1xf32>
    %neg3A = arith.constant 0.000000e+00 : f32
    %neg3A_121 = vector.broadcast %neg3A : f32 to vector<1024x1xf32>
    %neg3A_122 = arith.subf %neg3A_121, %add3A_120 : vector<1024x1xf32>
    %exp3A = math.exp %neg3A_122 : vector<1024x1xf32>
    %add3A_123 = arith.constant 1.000000e+00 : f32
    %add3A_124 = vector.broadcast %add3A_123 : f32 to vector<1024x1xf32>
    %add3A_125 = arith.addf %add3A_124, %exp3A : vector<1024x1xf32>
    %div3A = arith.constant 1.000000e+00 : f32
    %div3A_126 = vector.broadcast %div3A : f32 to vector<1024x1xf32>
    %div3A_127 = arith.divf %div3A_126, %add3A_125 : vector<1024x1xf32>
    %swap3A = arith.constant 0 : index
    %swap3A_128 = arith.constant 0 : index
    %swap3A_129 = vector.load %arg18[%swap3A, %swap3A_128] : memref<1024x1xf32, #tpu.memory_space<vmem>>, vector<1024x1xf32>
    tpu.vector_store %arg18[%swap3A, %swap3A_128], %div3A_127 {strides = array<i32>} : memref<1024x1xf32, #tpu.memory_space<vmem>>, vector<1024x1xf32>,
    return
  }
}

</mosaic_0001>

<sc_bundles>
// kernel: kernel.4.cloned.1.call-start
scs
__scs_entry_jumppad:
0x0: {  	(pc) =	sbr.rel $0x88, $3  }
0x1: {  	(tag) =	ssettag $0x0;
	lr =	simm.s32 $0x1  }
0x2: {  	[smem:$0x3F8F] =	sst lr;
	_ =	strace $0xD0000000  }
0x3: {  	_ = 	snop  }
0x4: {  	_ = 	snop  }
0x5: {  	_ = 	snop  }
0x6: {  	_ = 	snop  }
0x7: {  	_ = 	snop  }
__scs_overlays_trampoline_lowered:
0x8: {  	[smem:$0x3F9E] =	sst s0  }
0x9: {  	[smem:$0x3F9F] =	sst s1  }
0xa: {  	[smem:$0x3FA0] =	sst s2  }
0xb: {  	[smem:$0x3FA1] =	sst s3  }
0xc: {  	[smem:$0x3FA2] =	sst s4  }
0xd: {  	[smem:$0x3FA3] =	sst s5  }
0xe: {  	[smem:$0x3FA4] =	sst s6  }
0xf: {  	[smem:$0x3FA5] =	sst s7  }
0x10: {  	[smem:$0x3FA6] =	sst s8  }
0x11: {  	[smem:$0x3FA7] =	sst s9;
	s0 =	simm.s32 @!p0 $0x0  }
0x12: {  	s1 =	sld [smem:$0x3F8D];
	s0 =	simm.s32 @p0 $0x1  }
0x13: {  	[smem:$0x3FA8] =	sst s0;
	s0 =	simm.s32 @!p1 $0x0  }
0x14: {  	s2 =	sld [smem:$0x3F8C];
	s0 =	simm.s32 @p1 $0x1  }
0x15: {  	[smem:$0x3FA9] =	sst s0;
	s0 =	simm.s32 @!p2 $0x0  }
0x16: {  	s3 =	sld [smem:$0x3FDB];
	s0 =	simm.s32 @p2 $0x1  }
0x17: {  	s4 =	simm.s32 $0x1BF5;
	[smem:$0x3FAB] =	sst s0  }
0x18: {  	s0 =	sld [smem:$0x3F8E];
	_ =	swait.ge [sflag:s4], $0x0  }
0x19: {  	s7 =	sld [smem:$0x3F8F]  }
0x1a: {  	s8 =	sadd.s32 $0xFFFFE003, lr  }
0x1b: {  	s9 =	sadd.s32 $0xFFFFFEF7, lr;
	s5 =	simm.s32 $0xFFFFFFFF;
	p2 =	slt.u32 s8, $0xFFFFF086  }
0x1c: {  	p1 =	slt.u32 s9, $0xF7A;
	s5 =	simm.s32 @!p2 $0x0  }
0x1d: {  	s5 =	simm.s32 @p1 $0x1;
	p0 =	seq.s32 s7, s2  }
0x1e: {  	s7 =	smul.u32 @!p0 $0xF7A, s2;
	p2 =	seq.s32 @!p0 s5, $0x0  }
0x1f: {  	s9 =	smul.u32 $0xF7A, s1;
	s8 =	simm.s32 @!p0 $0x1BF5;
	p2 =	por !p2, p0  }
0x20: {  	[sflag:s8] =	ssyncset.s32 @!p0 $0xFFFFF086;
	s6 =	sadd.s32 @!p0 s3, s7;
	s7 =	simm.s32 @!p0 $0x108  }
0x21: {  	s3 =	sadd.s32 s3, s9;
	s6 =	sadd.s32 @!p0 $0x88, s6;
	s7 =	simm.s32 @p2 $0x1082  }
0x22: {  	[simem:s7], [sflag:s8] =	dma.local @!p0 [hbm:s6], $0xF7A  }
0x23: {  	s9 =	sor.u32 $0xD0000000, s2;
	s6 =	simm.s32 $0x108;
	_ =	swait.ge @!p0 [sflag:s8], $0x0  }
0x24: {  	s3 =	sadd.s32 $0x88, s3;
	s6 =	simm.s32 @!p1 $0x1082;
	[sflag:s4] =	ssyncset.s32 $0xFFFFF086  }
0x25: {  	[simem:s6], [sflag:s4] =	dma.local [hbm:s3], $0xF7A  }
0x26: {  	[smem:$0x3F8F] =	sst s1;
	(tag) =	ssettag s2;
	_ =	strace s9  }
0x27: {  	s1 =	sld [smem:$0x3F9F]  }
0x28: {  	s2 =	sld [smem:$0x3FA0]  }
0x29: {  	s4 =	sld [smem:$0x3FA2]  }
0x2a: {  	p0 =	seq.s32 s5, $0x0;
	s5 =	sld [smem:$0x3FA3]  }
0x2b: {  	s6 =	sld [smem:$0x3FA4]  }
0x2c: {  	s7 =	sld [smem:$0x3FA5]  }
0x2d: {  	s3 =	simm.s32 $0x108;
	s8 =	sld [smem:$0x3FA6]  }
0x2e: {  	s3 =	simm.s32 @!p0 $0x1082;
	s9 =	sld [smem:$0x3FA7]  }
0x2f: {  	lr =	sadd.s32 s0, s3;
	s0 =	sld [smem:$0x3F9E]  }
0x30: {  	s3 =	sld [smem:$0x3FA1]  }
0x31: {  	[smem:$0x3FAA] =	sst s10  }
0x32: {  	s10 =	sld [smem:$0x3FA8];
	_ =	sdelay $0x3  }
0x33: {  	p0 =	seq.s32 s10, $0x1;
	s10 =	sld [smem:$0x3FAA];
	_ =	sdelay $0x3  }
0x34: {  	[smem:$0x3FAA] =	sst s10  }
0x35: {  	s10 =	sld [smem:$0x3FA9];
	_ =	sdelay $0x3  }
0x36: {  	p1 =	seq.s32 s10, $0x1;
	s10 =	sld [smem:$0x3FAA];
	_ =	sdelay $0x3  }
0x37: {  	[smem:$0x3FAA] =	sst s10  }
0x38: {  	s10 =	sld [smem:$0x3FAB]  }
0x39: {  	_ = 	snop;
	(pc) =	sbr.ind lr, $3  }
0x3a: {  	_ = 	snop  }
0x3b: {  	_ = 	snop  }
0x3c: {  	p2 =	seq.s32 s10, $0x1;
	s10 =	sld [smem:$0x3FAA]  }
0x3d: {  	_ =	shalt  }
0x3e: {  	_ =	shalt  }
0x3f: {  	_ =	shalt  }
0x40: {  	_ =	shalt  }
0x41: {  	_ =	shalt  }
0x42: {  	_ =	shalt  }
0x43: {  	_ =	shalt  }
0x44: {  	_ =	shalt  }
0x45: {  	_ =	shalt  }
0x46: {  	_ =	shalt  }
0x47: {  	_ =	shalt  }
0x48: {  	_ =	shalt  }
0x49: {  	_ =	shalt  }
0x4a: {  	_ =	shalt  }
0x4b: {  	_ =	shalt  }
0x4c: {  	_ =	shalt  }
0x4d: {  	_ =	shalt  }
0x4e: {  	_ =	shalt  }
0x4f: {  	_ =	shalt  }
0x50: {  	_ =	shalt  }
0x51: {  	_ =	shalt  }
0x52: {  	_ =	shalt  }
0x53: {  	_ =	shalt  }
0x54: {  	_ =	shalt  }
0x55: {  	_ =	shalt  }
0x56: {  	_ =	shalt  }
0x57: {  	_ =	shalt  }
0x58: {  	_ =	shalt  }
0x59: {  	_ =	shalt  }
0x5a: {  	_ =	shalt  }
0x5b: {  	_ =	shalt  }
0x5c: {  	_ =	shalt  }
0x5d: {  	_ =	shalt  }
0x5e: {  	_ =	shalt  }
0x5f: {  	_ =	shalt  }
0x60: {  	_ =	shalt  }
0x61: {  	_ =	shalt  }
0x62: {  	_ =	shalt  }
0x63: {  	_ =	shalt  }
0x64: {  	_ =	shalt  }
0x65: {  	_ =	shalt  }
0x66: {  	_ =	shalt  }
0x67: {  	_ =	shalt  }
0x68: {  	_ =	shalt  }
0x69: {  	_ =	shalt  }
0x6a: {  	_ =	shalt  }
0x6b: {  	_ =	shalt  }
0x6c: {  	_ =	shalt  }
0x6d: {  	_ =	shalt  }
0x6e: {  	_ =	shalt  }
0x6f: {  	_ =	shalt  }
0x70: {  	_ =	shalt  }
0x71: {  	_ =	shalt  }
0x72: {  	_ =	shalt  }
0x73: {  	_ =	shalt  }
0x74: {  	_ =	shalt  }
0x75: {  	_ =	shalt  }
0x76: {  	_ =	shalt  }
0x77: {  	_ =	shalt  }
0x78: {  	_ =	shalt  }
0x79: {  	_ =	shalt  }
0x7a: {  	_ =	shalt  }
0x7b: {  	_ =	shalt  }
0x7c: {  	_ =	shalt  }
0x7d: {  	_ =	shalt  }
0x7e: {  	_ =	shalt  }
0x7f: {  	_ =	shalt  }
0x80: {  	_ =	shalt  }
0x81: {  	_ =	shalt  }
0x82: {  	_ =	shalt  }
0x83: {  	_ =	shalt  }
0x84: {  	_ =	shalt  }
0x85: {  	_ =	shalt  }
0x86: {  	_ =	shalt  }
0x87: {  	_ =	shalt  }
.Lfunc_end0:
.L_simem_size_0:
called_computation_lowered:
.L_overlay_start_0:
0x88: {  	s2 =	sld [smem:$0x3FD9]  }
0x89: {  	s3 =	sld [smem:$0x3FFE];
	_ =	sdelay $0x1  }
0x8a: {  	s1 =	srdreg.scid  }
0x8b: {  	s0 =	sand.u32 $0x1, s1  }
0x8c: {  	s17 =	sshll.u32 s0, $0xA;
	s2 =	sadd.s32 s3, s2  }
0x8d: {  	s2 =	sadd.s32 s2, s17  }
0x8e: {  	[smem:$0x3FB6] =	sst s2  }
0x8f: {  	_ = 	snop  }
0x90: {  	s2 =	sld [smem:$0x3FC9]  }
0x91: {  	s18 =	sld [smem:$0x3FC8]  }
0x92: {  	s4 =	sld [smem:$0x3FD0];
	(tm) =	ssettm $0x1  }
0x93: {  	s5 =	sld [smem:$0x3FFB];
	_ =	sdelay $0x3  }
0x94: {  	_ =	strace s5  }
0x95: {  	s5 =	sld [smem:$0x3FFC];
	_ =	sdelay $0x3  }
0x96: {  	_ =	strace s5  }
0x97: {  	s5 =	sld [smem:$0x3FFD];
	_ =	sdelay $0x3  }
0x98: {  	_ =	strace s5  }
0x99: {  	_ =	strace $0x8FFFFFFF  }
0x9a: {  	s19 =	sld [smem:$0x3FDB];
	_ =	sdelay $0x1  }
0x9b: {  	s6 =	simm.s32 $_scs_section_size  }
0x9c: {  	s7 =	simm.s32 $_size__tile_overlayer_lowered;
	s8 =	simm.s32 $_tile_overlayer_lowered  }
0x9d: {  	s22 =	simm.s32 $0x1BFF;
	s21 =	sshll.u32 s8, $0x1;
	s5 =	sadd.s32 s6, s19  }
0x9e: {  	s9 =	simm.s32 $0x0;
	s20 =	sshll.u32 s7, $0x1;
	s7 =	sadd.s32 s21, s5  }
0x9f: {  	[timem:s9], [sflag:s22] =	dma.local [hbm:s7], s20  }
0xa0: {  	_ =	swait.ge [sflag:s22], s20  }
0xa1: {  	s6 =	ssub.s32 $0x0, s20;
	[sflag:s22] =	ssyncset.done $0x0  }
0xa2: {  	[sflag:s22] =	ssyncadd.s32 s6;
	_ =	sdelay $0x1  }
0xa3: {  	s23 =	simm.s32 $0x1B8B  }
0xa4: {  	_ =	swait.ge [sflag:s23], $0x1  }
0xa5: {  	[sflag:s23] =	ssyncset.done $0x0  }
0xa6: {  	s25 =	simm.s32 $0x1B8E;
	s24 =	sld [smem:$0x3FFE];
	[sflag:s23] =	ssyncadd.s32 $0xFFFFFFFF  }
0xa7: {  	s26 =	simm.s32 $execute0_lowered;
	[smem:$0x3FD2] =	sst s25  }
0xa8: {  	s7 =	sshll.u32 s26, $0x1;
	_ =	strace $0x80000046;
	[dreg:$0x1] =	wrdreg $0xFFFFFFFF  }
0xa9: {  	s28 =	simm.s32 $_size_execute0_lowered;
	s5 =	sadd.s32 s5, s7;
	[dreg:$0x0] =	wrdreg $0x0  }
0xaa: {  	s7 =	sshll.u32 s28, $0x1;
	[dreg:$0x2] =	wrdreg s5  }
0xab: {  	[dreg:$0x3] =	wrdreg s7  }
0xac: {  	[dreg:$0x4] =	wrdreg $0xC0  }
0xad: {  	_ =	task [dreg:s9], $0x5FFFF  }
0xae: {  	[dreg:$0x1] =	wrdreg $0xFFFFFFFF  }
0xaf: {  	[dreg:$0x0] =	wrdreg $0x60  }
0xb0: {  	[dreg:$0x2] =	wrdreg s2  }
0xb1: {  	[dreg:$0x3] =	wrdreg s18  }
0xb2: {  	[dreg:$0x4] =	wrdreg s24  }
0xb3: {  	[dreg:$0x5] =	wrdreg s4  }
0xb4: {  	[dreg:$0x6] =	wrdreg $0x9  }
0xb5: {  	_ =	task.clear_ibuf [dreg:s9], $0x7FFFF;
	_ =	strace $0x90000046  }
0xb6: {  	s29 =	simm.s32 $0x9;
	_ =	strace $0x80000048  }
0xb7: {  	_ =	swait.ge [sflag:s29], $0x1  }
0xb8: {  	[sflag:s29] =	ssyncadd.s32 $0xFFFFFFFF  }
0xb9: {  	_ =	strace $0x90000048  }
0xba: {  	_ =	sfence  }
0xbb: {  	s30 =	sld [smem:$0x0];
	_ =	sdelay $0x2  }
0xbc: {  	s31 =	sshll.u32 s1, $0xD;
	s1 =	sshrl.u32 s1, $0x2  }
0xbd: {  	s3 =	sand.u32 $0x4000, s31;
	s1 =	sadd.s32 s1, s30  }
0xbe: {  	s0 =	sor.u32 s3, s0;
	s1 =	sshll.u32 s1, $0x11  }
0xbf: {  	s0 =	sor.u32 s1, s0  }
0xc0: {  	s0 =	sadd.s32 $0x8F2B, s0  }
0xc1: {  	[sflag:s0] =	ssyncadd.remote.s32 $0x1  }
0xc2: {  	_ =	sfence.sel $0xFFFF  }
0xc3: {  	[dreg:$0x0] =	wrdreg $0xFFFFFFFF;
	(pc) =	sbr.abs _section_cstart, $3  }
0xc4: {  	[dreg:$0x1] =	wrdreg $0xFFFFFFFF  }
0xc5: {  	_ =	task.clear_ibuf [dreg:s9], $0x2FFFF;
	_ =	strace $0x9FFFFFFF  }
0xc6: {  	(tm) =	ssettm $0x7FFFFFFF  }
0xc7: {  	_ =	shalt  }
tec
execute0_lowered:
.L_overlay_start_1:
0x0: {  	(tag) =	ssettag $0x1  }
0x1: {  	s3 =	rddreg [dreg:$0x0]  }
0x2: {  	s5 =	rddreg [dreg:$0x1];
	s1 =	srdreg.scid  }
0x3: {  	s17 =	rddreg [dreg:$0x2];
	s0 =	stileid.u32;
	s22 =	sand.u32 $0x1, s1  }
0x4: {  	s20 =	rddreg [dreg:$0x3];
	s4 =	sshll.u32 s0, $0x6;
	s6 =	sshll.u32 s22, $0x5  }
0x5: {  	s2 =	simm.s32 $0x0;
	s1 =	rddreg [dreg:$0x4];
	s15 =	sor.u32 s6, s4  }
0x6: {  	[smem:$0x7FF] =	sst s2;
	s21 =	sshrl.u32 s15, $0x3  }
0x7: {  	_ =	strace $0x80000047;
	s4 =	sadd.s32 s3, s21;
	s3 =	simm.s32 $0x2  }
0x8: {  	[tilespmem:s2], [sflag:$0x2] =	stream.linear.gather [hbm4b:s4+s2], $0x20, $0x38;
	[tilespmem:$0x4280] =	vst v63  }
0x9: {  	_ =	swait.ge [sflag:s3], $0x20  }
0xa: {  	[sflag:s3] =	ssyncset.done $0x0  }
0xb: {  	s6 =	simm.s32 $0x80;
	s5 =	sadd.s32 s5, s21;
	[sflag:s3] =	ssyncadd.s32 $0xFFFFFFE0  }
0xc: {  	[tilespmem:s6], [sflag:$0x2] =	stream.linear.gather [hbm4b:s5+s2], $0x20, $0x38;
	[tilespmem:$0x4280] =	vst v63  }
0xd: {  	_ =	swait.ge [sflag:s3], $0x20  }
0xe: {  	[sflag:s3] =	ssyncset.done $0x0  }
0xf: {  	[sflag:s3] =	ssyncadd.s32 $0xFFFFFFE0  }
0x10: {  	v0 =	vld [tilespmem:$0x10]  }
0x11: {  	v1 =	vld [tilespmem:$0x80]  }
0x12: {  	v2 =	vld [tilespmem:$0x0]  }
0x13: {  	v3 =	vld [tilespmem:$0x90];
	_ =	sdelay $0x1  }
0x14: {  	v0 =	vshra.s32 v0, $0x2  }
0x15: {  	v1 =	vshra.s32 v1, $0x2;
	[tilespmem:$0x110] =	vst v0  }
0x16: {  	v0 =	vshra.s32 v2, $0x2;
	[tilespmem:$0x180] =	vst v1  }
0x17: {  	s9 =	simm.s32 $0x20;
	s10 =	simm.s32 $0x100;
	[tilespmem:$0x100] =	vst v0;
	v0 =	vshra.s32 v3, $0x2  }
0x18: {  	s11 =	simm.s32 $0x200;
	s12 =	simm.s32 $0x180;
	s7 =	sadd.s32 $0x189A00, s17;
	[tilespmem:$0x190] =	vst v0  }
0x19: {  	[tilespmem:s11], [sflag:$0x1] =	stream.indirect.gather [hbm4b:s7+s9], $0x80, s10, s9, $0xb8;
	[tilespmem:$0x4280] =	vst v63  }
0x1a: {  	s13 =	simm.s32 $0x1200;
	s14 =	simm.s32 $0x1;
	s8 =	sadd.s32 $0x1EB600, s17  }
0x1b: {  	[tilespmem:s13], [sflag:$0x1] =	stream.indirect.gather [hbm4b:s8+s9], $0x80, s12, s9, $0xb8;
	[tilespmem:$0x4280] =	vst v63  }
0x1c: {  	_ =	swait.ge [sflag:s14], $0x1000  }
0x1d: {  	[sflag:s14] =	ssyncset.done $0x0  }
0x1e: {  	[sflag:s14] =	ssyncadd.s32 $0xFFFFF000  }
0x1f: {  	s15 =	sshll.u32 s15, $0x4;
	_ =	swait.ge [sflag:s14], $0x1000  }
0x20: {  	s16 =	sadd.s32 s15, s17;
	[sflag:s14] =	ssyncset.done $0x0  }
0x21: {  	s15 =	sadd.s32 $0x9200, s16;
	[sflag:s14] =	ssyncadd.s32 $0xFFFFF000  }
0x22: {  	[hbm4b:s15+s2] =	stream.linear.scatter [tilespmem:s11], [sflag:$0x2], $0x1000, $0x38;
	[tilespmem:$0x4280] =	vst v63  }
0x23: {  	_ =	swait.ge [sflag:s3], $0x1000  }
0x24: {  	[sflag:s3] =	ssyncset.done $0x0  }
0x25: {  	s16 =	sadd.s32 $0xD200, s16;
	[sflag:s3] =	ssyncadd.s32 $0xFFFFF000  }
0x26: {  	[hbm4b:s16+s2] =	stream.linear.scatter [tilespmem:s13], [sflag:$0x2], $0x1000, $0x38;
	[tilespmem:$0x4280] =	vst v63  }
0x27: {  	_ =	swait.ge [sflag:s3], $0x1000  }
0x28: {  	[sflag:s3] =	ssyncset.done $0x0  }
0x29: {  	[sflag:s3] =	ssyncadd.s32 $0xFFFFF000  }
0x2a: {  	v0 =	vld [tilespmem:$0x80]  }
0x2b: {  	v1 =	vld [tilespmem:$0x90];
	_ =	sdelay $0x1  }
0x2c: {  	v2 =	vld [tilespmem:$0x10]  }
0x2d: {  	v3 =	vld [tilespmem:$0x0]  }
0x2e: {  	v0 =	vadd.s32 $0x186A0, v0  }
0x2f: {  	v1 =	vadd.s32 $0x186A0, v1;
	v0 =	vshra.s32 v0, $0x7  }
0x30: {  	[tilespmem:$0x180] =	vst v0;
	v0 =	vshra.s32 v1, $0x7  }
0x31: {  	v1 =	vshra.s32 v2, $0x7;
	[tilespmem:$0x190] =	vst v0  }
0x32: {  	v0 =	vshra.s32 v3, $0x7;
	[tilespmem:$0x110] =	vst v1  }
0x33: {  	s18 =	simm.s32 $0x2200;
	s17 =	sadd.s32 $0x3000, s17;
	[tilespmem:$0x100] =	vst v0  }
0x34: {  	[tilespmem:s18], [sflag:$0x1] =	stream.indirect.gather [hbm4b:s17+s9], $0x80, s10, s9, $0xb8;
	[tilespmem:$0x4280] =	vst v63  }
0x35: {  	s19 =	simm.s32 $0x3200  }
0x36: {  	[tilespmem:s19], [sflag:$0x1] =	stream.indirect.gather [hbm4b:s17+s9], $0x80, s12, s9, $0xb8;
	[tilespmem:$0x4280] =	vst v63  }
0x37: {  	_ =	swait.ge [sflag:s14], $0x1000  }
0x38: {  	[sflag:s14] =	ssyncset.done $0x0  }
0x39: {  	[sflag:s14] =	ssyncadd.s32 $0xFFFFF000  }
0x3a: {  	_ =	swait.ge [sflag:s14], $0x1000  }
0x3b: {  	[sflag:s14] =	ssyncset.done $0x0  }
0x3c: {  	[sflag:s14] =	ssyncadd.s32 $0xFFFFF000  }
0x3d: {  	v1 =	vld [tilespmem:$0x80]  }
0x3e: {  	v2 =	vld [tilespmem:$0x0];
	_ =	sdelay $0x2  }
0x3f: {  	v0 =	vlaneseq.u32  }
0x40: {  	v0 =	vmul.u32 $0x80, v0  }
0x41: {  	v1 =	vadd.s32 $0x20, v1;
	v2 =	vand.u32 $0x7F, v2  }
0x42: {  	v1 =	vand.u32 $0x7F, v1;
	v2 =	vor.u32 v0, v2  }
0x43: {  	v1 =	vor.u32 v0, v1  }
0x44: {  	v3 =	vld [tilespmem:$0x90]  }
0x45: {  	v4 =	vld [tilespmem:$0x10];
	_ =	sdelay $0x1  }
0x46: {  	v2 =	vld.idx.msk [tilespmem:v2+s18+$0x0], $0xffff  }
0x47: {  	s22 =	ssub.s32 $0x2, s22;
	v5 =	vld.idx.msk [tilespmem:v1+s19+$0x0], $0xffff  }
0x48: {  	s23 =	sshrl.u32 s22, $0x1  }
0x49: {  	s22 =	ssub.s32 s22, s23;
	v3 =	vadd.s32 $0x20, v3;
	v4 =	vand.u32 $0x7F, v4;
	v1 =	vor.u32 $0x800, v0  }
0x4a: {  	s22 =	smax.u32 s22, $0x1;
	v3 =	vand.u32 $0x7F, v3;
	v4 =	vor.u32 v1, v4  }
0x4b: {  	p0 =	sne.s32 s22, $0x1;
	v3 =	vor.u32 v1, v3  }
.Ltmp0:
0x4c: {  	v2 =	vadd.f32 v5, v2;
	(pc) =	sbr.rel @!p0 .LBB2_2-.Ltmp0, $4  }
0x4d: {  	_ = 	snop  }
0x4e: {  	[tilespmem:$0x4200] =	vst v2  }
0x4f: {  	v2 =	vld.idx.msk [tilespmem:v4+s18+$0x0], $0xffff  }
0x50: {  	s20 =	sadd.s32 s20, s21;
	s21 =	simm.s32 $0x4200;
	s22 =	sadd.s32 $0xFFFFFFFF, s22;
	v3 =	vld.idx.msk [tilespmem:v3+s19+$0x0], $0xffff  }
.LBB2_1:
0x51: {  	_ = 	snop  }
0x52: {  	p0 =	sne.s32 s22, $0x1;
	s22 =	sadd.s32 $0xFFFFFFFF, s22;
	_ =	sdelay $0x2  }
0x53: {  	v2 =	vadd.f32 v3, v2;
	_ =	sdelay $0x1  }
0x54: {  	[tilespmem:$0x4210] =	vst v2  }
0x55: {  	[hbm4b:s20+s2] =	stream.linear.scatter [tilespmem:s21], [sflag:$0x2], $0x20, $0x38;
	[tilespmem:$0x4280] =	vst v63  }
0x56: {  	_ =	swait.ge [sflag:s3], $0x20  }
0x57: {  	[sflag:s3] =	ssyncset.done $0x0  }
0x58: {  	[sflag:s3] =	ssyncadd.s32 $0xFFFFFFE0  }
0x59: {  	[tilespmem:s2], [sflag:$0x2] =	stream.linear.gather [hbm4b:s4+s2], $0x20, $0x38;
	[tilespmem:$0x4280] =	vst v63  }
0x5a: {  	_ =	swait.ge [sflag:s3], $0x20  }
0x5b: {  	[sflag:s3] =	ssyncset.done $0x0  }
0x5c: {  	[sflag:s3] =	ssyncadd.s32 $0xFFFFFFE0  }
0x5d: {  	[tilespmem:s6], [sflag:$0x2] =	stream.linear.gather [hbm4b:s5+s2], $0x20, $0x38;
	[tilespmem:$0x4280] =	vst v63  }
0x5e: {  	_ =	swait.ge [sflag:s3], $0x20  }
0x5f: {  	[sflag:s3] =	ssyncset.done $0x0  }
0x60: {  	[sflag:s3] =	ssyncadd.s32 $0xFFFFFFE0  }
0x61: {  	v2 =	vld [tilespmem:$0x10]  }
0x62: {  	v3 =	vld [tilespmem:$0x80]  }
0x63: {  	v4 =	vld [tilespmem:$0x0]  }
0x64: {  	v5 =	vld [tilespmem:$0x90];
	_ =	sdelay $0x1  }
0x65: {  	v2 =	vshra.s32 v2, $0x2  }
0x66: {  	v3 =	vshra.s32 v3, $0x2;
	[tilespmem:$0x110] =	vst v2  }
0x67: {  	v2 =	vshra.s32 v4, $0x2;
	[tilespmem:$0x180] =	vst v3  }
0x68: {  	[tilespmem:$0x100] =	vst v2;
	v2 =	vshra.s32 v5, $0x2  }
0x69: {  	[tilespmem:$0x190] =	vst v2  }
0x6a: {  	[tilespmem:s11], [sflag:$0x1] =	stream.indirect.gather [hbm4b:s7+s9], $0x80, s10, s9, $0xb8;
	[tilespmem:$0x4280] =	vst v63  }
0x6b: {  	_ = 	snop  }
0x6c: {  	[tilespmem:s13], [sflag:$0x1] =	stream.indirect.gather [hbm4b:s8+s9], $0x80, s12, s9, $0xb8;
	[tilespmem:$0x4280] =	vst v63  }
0x6d: {  	_ =	swait.ge [sflag:s14], $0x1000  }
0x6e: {  	[sflag:s14] =	ssyncset.done $0x0  }
0x6f: {  	[sflag:s14] =	ssyncadd.s32 $0xFFFFF000  }
0x70: {  	_ =	swait.ge [sflag:s14], $0x1000  }
0x71: {  	[sflag:s14] =	ssyncset.done $0x0  }
0x72: {  	[sflag:s14] =	ssyncadd.s32 $0xFFFFF000  }
0x73: {  	[hbm4b:s15+s2] =	stream.linear.scatter [tilespmem:s11], [sflag:$0x2], $0x1000, $0x38;
	[tilespmem:$0x4280] =	vst v63  }
0x74: {  	_ =	swait.ge [sflag:s3], $0x1000  }
0x75: {  	[sflag:s3] =	ssyncset.done $0x0  }
0x76: {  	[sflag:s3] =	ssyncadd.s32 $0xFFFFF000  }
0x77: {  	[hbm4b:s16+s2] =	stream.linear.scatter [tilespmem:s13], [sflag:$0x2], $0x1000, $0x38;
	[tilespmem:$0x4280] =	vst v63  }
0x78: {  	_ =	swait.ge [sflag:s3], $0x1000  }
0x79: {  	[sflag:s3] =	ssyncset.done $0x0  }
0x7a: {  	[sflag:s3] =	ssyncadd.s32 $0xFFFFF000  }
0x7b: {  	v2 =	vld [tilespmem:$0x80]  }
0x7c: {  	v3 =	vld [tilespmem:$0x90]  }
0x7d: {  	v4 =	vld [tilespmem:$0x0]  }
0x7e: {  	v5 =	vld [tilespmem:$0x10];
	_ =	sdelay $0x1  }
0x7f: {  	v2 =	vadd.s32 $0x186A0, v2  }
0x80: {  	v2 =	vshra.s32 v2, $0x7;
	v3 =	vadd.s32 $0x186A0, v3  }
0x81: {  	v4 =	vshra.s32 v4, $0x7;
	[tilespmem:$0x180] =	vst v2;
	v2 =	vshra.s32 v3, $0x7  }
0x82: {  	v3 =	vshra.s32 v5, $0x7;
	[tilespmem:$0x190] =	vst v2  }
0x83: {  	[tilespmem:$0x110] =	vst v3  }
0x84: {  	[tilespmem:$0x100] =	vst v4  }
0x85: {  	[tilespmem:s18], [sflag:$0x1] =	stream.indirect.gather [hbm4b:s17+s9], $0x80, s10, s9, $0xb8;
	[tilespmem:$0x4280] =	vst v63  }
0x86: {  	_ = 	snop  }
0x87: {  	[tilespmem:s19], [sflag:$0x1] =	stream.indirect.gather [hbm4b:s17+s9], $0x80, s12, s9, $0xb8;
	[tilespmem:$0x4280] =	vst v63  }
0x88: {  	_ =	swait.ge [sflag:s14], $0x1000  }
0x89: {  	[sflag:s14] =	ssyncset.done $0x0  }
0x8a: {  	[sflag:s14] =	ssyncadd.s32 $0xFFFFF000  }
0x8b: {  	_ =	swait.ge [sflag:s14], $0x1000  }
0x8c: {  	[sflag:s14] =	ssyncset.done $0x0  }
0x8d: {  	[sflag:s14] =	ssyncadd.s32 $0xFFFFF000  }
0x8e: {  	v2 =	vld [tilespmem:$0x80]  }
0x8f: {  	v3 =	vld [tilespmem:$0x0]  }
0x90: {  	v4 =	vld [tilespmem:$0x90]  }
0x91: {  	v5 =	vld [tilespmem:$0x10];
	_ =	sdelay $0x1  }
0x92: {  	v2 =	vadd.s32 $0x20, v2  }
0x93: {  	v3 =	vand.u32 $0x7F, v3;
	v2 =	vand.u32 $0x7F, v2  }
0x94: {  	v3 =	vor.u32 v0, v3;
	v2 =	vor.u32 v0, v2;
	v4 =	vadd.s32 $0x20, v4  }
0x95: {  	v5 =	vand.u32 $0x7F, v5;
	v4 =	vand.u32 $0x7F, v4;
	_ =	sdelay $0x3  }
0x96: {  	v3 =	vld.idx.msk [tilespmem:v3+s18+$0x0], $0xffff  }
0x97: {  	v2 =	vld.idx.msk [tilespmem:v2+s19+$0x0], $0xffff;
	_ =	sdelay $0x3  }
0x98: {  	v5 =	vor.u32 v1, v5;
	v4 =	vor.u32 v1, v4;
	_ =	sdelay $0x1  }
.Ltmp1:
0x99: {  	v2 =	vadd.f32 v2, v3;
	(pc) =	sbr.rel @p0 .LBB2_1-.Ltmp1, $4  }
0x9a: {  	_ = 	snop  }
0x9b: {  	[tilespmem:$0x4200] =	vst v2  }
0x9c: {  	v2 =	vld.idx.msk [tilespmem:v5+s18+$0x0], $0xffff  }
0x9d: {  	v3 =	vld.idx.msk [tilespmem:v4+s19+$0x0], $0xffff  }
.LBB2_2:
0x9e: {  	_ =	sdelay $0x3  }
0x9f: {  	v0 =	vadd.f32 v3, v2;
	_ =	sdelay $0x1  }
0xa0: {  	[tilespmem:$0x4210] =	vst v0  }
0xa1: {  	[hbm4b:s20+s2] =	stream.linear.scatter [tilespmem:s21], [sflag:$0x2], $0x20, $0x38;
	[tilespmem:$0x4280] =	vst v63  }
0xa2: {  	_ =	swait.ge [sflag:s3], $0x20  }
0xa3: {  	[sflag:s3] =	ssyncset.done $0x0  }
0xa4: {  	[sflag:s3] =	ssyncadd.s32 $0xFFFFFFE0  }
0xa5: {  	_ =	sfence.sel $0x180000  }
0xa6: {  	[bflag:$0x0] =	sbarrier.arrive $0xFFFF  }
0xa7: {  	p0 =	sne.s32 s0, $0x0;
	_ =	strace $0x90000047  }
0xa8: {  	s0 =	sadd.s32 @!p0 $0x100000, s1;
	[bflag:$0x2] =	sbarrier.arrive $0xFFFF  }
0xa9: {  	[sflag:s0] =	ssyncadd.tile.s32 @!p0 $0x1;
	_ =	shalt  }
.Lfunc_end2:
_tile_overlayer_lowered:
.L_overlay_start_2:
0xaa: {  	(tag) =	ssettag $0x2  }
0xab: {  	s0 =	rddreg [dreg:$0x0];
	s2 =	stileid.u32  }
0xac: {  	s1 =	rddreg [dreg:$0x1];
	p0 =	sne.s32 s2, $0x0  }
0xad: {  	s3 =	rddreg [dreg:$0x2];
	[bflag:$0x3] =	sbarrier.arrive $0xFFFF;
	s2 =	simm.s32 @!p0 $0x1C02  }
0xae: {  	[timem:s3], [sflag:s2] =	dma.local @!p0 [hbm:s0], s1  }
0xaf: {  	s0 =	simm.s32 @!p0 $0x2  }
0xb0: {  	_ =	swait.ge @!p0 [sflag:s0], s1  }
0xb1: {  	s1 =	ssub.s32 @!p0 $0x0, s1;
	[sflag:s0] =	ssyncset.done @!p0 $0x0  }
0xb2: {  	[sflag:s0] =	ssyncadd.s32 @!p0 s1  }
0xb3: {  	[bflag:$0x3] =	sbarrier.arrive $0xFFFF  }
0xb4: {  	_ =	shalt  }

</sc_bundles>
